<compile_context>
chip_gen: v7x
topology: tpu7x:2x2x1
jax: 0.10.2.dev20260603
libtpu: 0.0.44.dev20260713+nightly
codegen_flags: <defaults>
</compile_context>

<pallas_src>
import functools
import math

import jax
import jax.numpy as jnp
from jax import lax
from jax.experimental import pallas as pl
from jax.experimental.pallas import tpu as pltpu
from jax.experimental.pallas import tpu_sc as plsc

_NC = 2
_NS = 16
_NW = _NC * _NS
_LANES = 16


def _edge_mask_sc(self_indices, n_nodes):
    e = self_indices.shape[0]
    e_per_w = e // _NW
    mesh = plsc.VectorSubcoreMesh(core_axis_name="c", subcore_axis_name="s")

    @functools.partial(
        pl.kernel,
        mesh=mesh,
        out_type=jax.ShapeDtypeStruct((_NW, n_nodes), jnp.float32),
        scratch_types=[
            pltpu.VMEM((e_per_w,), jnp.int32),
            pltpu.VMEM((n_nodes,), jnp.float32),
        ],
        compiler_params=pltpu.CompilerParams(needs_layout_passes=False),
    )
    def mask_kernel(idx_hbm, out_hbm, idx_v, acc_v):
        wid = lax.axis_index("s") * _NC + lax.axis_index("c")
        base = wid * e_per_w
        pltpu.sync_copy(idx_hbm.at[pl.ds(base, e_per_w)], idx_v)
        zeros = jnp.zeros((_LANES,), jnp.float32)
        ones = jnp.ones((_LANES,), jnp.float32)

        def zero_body(i, carry):
            acc_v[pl.ds(i * _LANES, _LANES)] = zeros
            return carry

        lax.fori_loop(0, n_nodes // _LANES, zero_body, 0)

        def scatter_body(i, carry):
            iv = idx_v[pl.ds(i * _LANES, _LANES)]
            plsc.addupdate_scatter(acc_v, [iv], ones)
            return carry

        lax.fori_loop(0, e_per_w // _LANES, scatter_body, 0)
        pltpu.sync_copy(acc_v, out_hbm.at[wid])

    return mask_kernel(self_indices)


def _proj_tc_body(v_ref, wv_ref, bv_ref, wo_ref, bo_ref, m_ref, o_ref):
    counts = lax.dot_general(
        m_ref[...],
        jnp.ones((_NW, v_ref.shape[1]), jnp.float32),
        dimension_numbers=(((0,), (0,)), ((), ())),
        preferred_element_type=jnp.float32,
    )
    gate = jnp.where(counts > 0.5, 1.0, 0.0)
    vproj = (
        lax.dot_general(
            v_ref[...],
            wv_ref[...],
            dimension_numbers=(((1,), (1,)), ((), ())),
            preferred_element_type=jnp.float32,
        )
        + bv_ref[...]
    )
    o_ref[...] = (
        lax.dot_general(
            vproj * gate,
            wo_ref[...],
            dimension_numbers=(((1,), (1,)), ((), ())),
            preferred_element_type=jnp.float32,
        )
        + bo_ref[...]
    )


def kernel(q, k, v, self_indices, neighbor_indices, Wq, bq, Wk, bk, Wv, bv, Wo, bo):
    n, d = v.shape
    blk = 2048
    n_pad = -(-n // blk) * blk
    masks = _edge_mask_sc(self_indices, n_pad)
    v_p = jnp.pad(v, ((0, n_pad - n), (0, 0)))

    out = pl.pallas_call(
        _proj_tc_body,
        grid=(n_pad // blk,),
        in_specs=[
            pl.BlockSpec((blk, d), lambda i: (i, 0)),
            pl.BlockSpec((d, d), lambda i: (0, 0)),
            pl.BlockSpec((1, d), lambda i: (0, 0)),
            pl.BlockSpec((d, d), lambda i: (0, 0)),
            pl.BlockSpec((1, d), lambda i: (0, 0)),
            pl.BlockSpec((_NW, blk), lambda i: (0, i)),
        ],
        out_specs=pl.BlockSpec((blk, d), lambda i: (i, 0)),
        out_shape=jax.ShapeDtypeStruct((n_pad, d), jnp.float32),
    )(v_p, Wv, bv.reshape(1, d), Wo, bo.reshape(1, d), masks)
    return out[:n]

# --- scband reference (transcript-rebuilt; emitter-appended) ---
"""Pipeline reference for scband-multi-head-dot-product-36146444763806 (READ-ONLY COPY).

The authoritative reference and input builder live on the scoring server;
editing this copy changes nothing except your own understanding.
"""

import jax, jax.numpy as jnp
import numpy as np
import math

N = 10000
E = 320000
D = 128
NHEAD = 4
HD = D // NHEAD


def setup_inputs(seed: int = 0) -> dict:
    key = jax.random.key(seed)
    ks = jax.random.split(key, 10)
    s = 1.0 / math.sqrt(D)
    return {
        "q": jax.random.normal(ks[0], (N, D), dtype=jnp.float32),
        "k": jax.random.normal(ks[1], (N, D), dtype=jnp.float32),
        "v": jax.random.normal(ks[2], (N, D), dtype=jnp.float32),
        "self_indices": jax.random.randint(ks[3], (E,), 0, N, dtype=jnp.int32),
        "neighbor_indices": jax.random.randint(ks[4], (E,), 0, N, dtype=jnp.int32),
        "Wq": jax.random.normal(ks[5], (D, D), dtype=jnp.float32) * s,
        "bq": jnp.zeros((D,), dtype=jnp.float32),
        "Wk": jax.random.normal(ks[6], (D, D), dtype=jnp.float32) * s,
        "bk": jnp.zeros((D,), dtype=jnp.float32),
        "Wv": jax.random.normal(ks[7], (D, D), dtype=jnp.float32) * s,
        "bv": jnp.zeros((D,), dtype=jnp.float32),
        "Wo": jax.random.normal(ks[8], (D, D), dtype=jnp.float32) * s,
        "bo": jnp.zeros((D,), dtype=jnp.float32),
    }


def reference(q, k, v, self_indices, neighbor_indices, Wq, bq, Wk, bk, Wv, bv, Wo, bo):
    bs = q.shape[0]
    # linear projections, reshape to (nhead, bs, hdim)
    kh = jnp.transpose((k @ Wk.T + bk).reshape(bs, NHEAD, HD), (1, 0, 2))
    qh = jnp.transpose((q @ Wq.T + bq).reshape(bs, NHEAD, HD), (1, 0, 2))
    vh = jnp.transpose((v @ Wv.T + bv).reshape(bs, NHEAD, HD), (1, 0, 2))
    # gather per-edge q (dst) and k (src) and compute dot-product scores
    qe = qh[:, self_indices]        # (nhead, E, hdim)
    ke = kh[:, neighbor_indices]    # (nhead, E, hdim)
    scores = jnp.sum(qe * ke, axis=-1, keepdims=True) / math.sqrt(HD)  # (nhead, E, 1)
    # segment softmax over edges grouped by self_indices (non num_stab path of source)
    src = jnp.exp(scores)
    denom = jnp.zeros((NHEAD, bs, 1), dtype=src.dtype).at[:, self_indices].add(src)
    attn = src / denom[:, self_indices]
    # dropout p=0.0 -> identity
    out = attn * vh[:, self_indices]  # (nhead, E, hdim)
    agg = jnp.zeros((NHEAD, bs, HD), dtype=out.dtype).at[:, self_indices].add(out)
    vcat = jnp.transpose(agg, (1, 0, 2)).reshape(bs, NHEAD * HD)
    return vcat @ Wo.T + bo

if __name__ == "__main__":
    import jax
    _d = setup_inputs()
    print(jax.jit(kernel)(*tuple(_d.values())))

</pallas_src>

<mosaic_0001>
#map = affine_map<(d0, d1) -> (0)>
#map1 = affine_map<(d0, d1) -> (0, 0)>
module attributes {stable_mosaic.version = 14 : i64} {
  func.func @mask_kernel(%arg0: i32, %arg1: i32, %arg2: memref<320000xi32, #tpu.memory_space<hbm>>, %arg3: memref<32x10240xf32, #tpu.memory_space<hbm>>, %arg4: memref<10000xi32, #tpu.memory_space<vmem>>, %arg5: memref<10240xf32, #tpu.memory_space<vmem>>) attributes {dimension_semantics = [#tpu.dimension_semantics<core_parallel>, #tpu.dimension_semantics<subcore_parallel>], iteration_bounds = array<i64: 2, 16>, scalar_prefetch = 0 : i64, scratch_operands = 2 : i64, tpu.core_type = #tpu.core_type<sc_vector_subcore>, window_params = [{transform_indices = #map}, {transform_indices = #map1}]} {
    %mul3A = arith.constant 2 : i32
    %mul3A_0 = arith.muli %arg1, %mul3A : i32
    %add3A = arith.addi %mul3A_0, %arg0 : i32
    %mul3A_1 = arith.constant 10000 : i32
    %mul3A_2 = arith.muli %add3A, %mul3A_1 : i32
    "tpu.region"() ({
      %run_scoped3A = tpu.sem_alloc : memref<!tpu.dma_semaphore, #tpu.memory_space<semaphore_mem>>
      %dma_start3A = tpu.memref_slice %arg2[%mul3A_2] : memref<320000xi32, #tpu.memory_space<hbm>> -> memref<10000xi32, #tpu.memory_space<hbm>>
      %dma_start3A_17 = tpu.memref_slice %arg2[%mul3A_2] : memref<320000xi32, #tpu.memory_space<hbm>> -> memref<10000xi32, #tpu.memory_space<hbm>>
      tpu.enqueue_dma source(%dma_start3A_17 : memref<10000xi32, #tpu.memory_space<hbm>>) target(%arg4 : memref<10000xi32, #tpu.memory_space<vmem>>) target_semaphore(%run_scoped3A : memref<!tpu.dma_semaphore, #tpu.memory_space<semaphore_mem>>)
      %dma_wait3A = tpu.memref_slice %arg2[%mul3A_2] : memref<320000xi32, #tpu.memory_space<hbm>> -> memref<10000xi32, #tpu.memory_space<hbm>>
      %dma_wait3A_18 = tpu.memref_slice %arg2[%mul3A_2] : memref<320000xi32, #tpu.memory_space<hbm>> -> memref<10000xi32, #tpu.memory_space<hbm>>
      tpu.wait_dma2 semaphore(%run_scoped3A : memref<!tpu.dma_semaphore, #tpu.memory_space<semaphore_mem>>) src(%dma_wait3A_18 : memref<10000xi32, #tpu.memory_space<hbm>>) dst(%arg4 : memref<10000xi32, #tpu.memory_space<vmem>>)
      tpu.yield
    }) : () -> ()
    %broadcast_in_dim3A = arith.constant 0.000000e+00 : f32
    %broadcast_in_dim3A_3 = vector.broadcast %broadcast_in_dim3A : f32 to vector<16xf32>
    %broadcast_in_dim3A_4 = arith.constant 1.000000e+00 : f32
    %broadcast_in_dim3A_5 = vector.broadcast %broadcast_in_dim3A_4 : f32 to vector<16xf32>
    %scan3A = arith.constant 0 : i32
    %scan3A_6 = arith.constant 0 : i32
    %scan3A_7 = arith.constant 640 : i32
    %scan3A_8 = arith.addi %scan3A_6, %scan3A_7 : i32
    %scan3A_9 = arith.constant 1 : i32
    scf.for %scan3A_17 = %scan3A_6 to %scan3A_8 step %scan3A_9  : i32 {
      %mul3A_18 = arith.constant 16 : i32
      %mul3A_19 = arith.muli %scan3A_17, %mul3A_18 : i32
      %swap3A = arith.index_cast %mul3A_19 : i32 to index
      %swap3A_20 = tpu.vector_load %arg5[%swap3A] {strides = array<i32>} : memref<10240xf32, #tpu.memory_space<vmem>>, vector<16xf32>,
      tpu.vector_store %arg5[%swap3A], %broadcast_in_dim3A_3 {strides = array<i32>} : memref<10240xf32, #tpu.memory_space<vmem>>, vector<16xf32>,
    }
    %scan3A_10 = arith.constant 640 : i32
    %scan3A_11 = arith.constant 0 : i32
    %scan3A_12 = arith.constant 0 : i32
    %scan3A_13 = arith.constant 625 : i32
    %scan3A_14 = arith.addi %scan3A_12, %scan3A_13 : i32
    %scan3A_15 = arith.constant 1 : i32
    scf.for %scan3A_17 = %scan3A_12 to %scan3A_14 step %scan3A_15  : i32 {
      %mul3A_18 = arith.constant 16 : i32
      %mul3A_19 = arith.muli %scan3A_17, %mul3A_18 : i32
      %get3A = arith.index_cast %mul3A_19 : i32 to index
      %get3A_20 = tpu.vector_load %arg4[%get3A] {strides = array<i32>} : memref<10000xi32, #tpu.memory_space<vmem>>, vector<16xi32>,
      tpu.vector_store_idx %arg5[%get3A_20], %broadcast_in_dim3A_5 {add = true} : memref<10240xf32, #tpu.memory_space<vmem>>[vector<16xi32>], vector<16xf32>,
    }
    %scan3A_16 = arith.constant 625 : i32
    "tpu.region"() ({
      %run_scoped3A = tpu.sem_alloc : memref<!tpu.dma_semaphore, #tpu.memory_space<semaphore_mem>>
      %dma_start3A = arith.constant 0 : i32
      %dma_start3A_17 = tpu.memref_slice %arg3[%add3A, %dma_start3A] : memref<32x10240xf32, #tpu.memory_space<hbm>> -> memref<1x10240xf32, #tpu.memory_space<hbm>>
      %dma_start3A_18 = tpu.memref_squeeze %dma_start3A_17 : memref<1x10240xf32, #tpu.memory_space<hbm>> -> memref<10240xf32, #tpu.memory_space<hbm>>
      %dma_start3A_19 = arith.constant 0 : i32
      %dma_start3A_20 = tpu.memref_slice %arg3[%add3A, %dma_start3A_19] : memref<32x10240xf32, #tpu.memory_space<hbm>> -> memref<1x10240xf32, #tpu.memory_space<hbm>>
      %dma_start3A_21 = tpu.memref_squeeze %dma_start3A_20 : memref<1x10240xf32, #tpu.memory_space<hbm>> -> memref<10240xf32, #tpu.memory_space<hbm>>
      tpu.enqueue_dma source(%arg5 : memref<10240xf32, #tpu.memory_space<vmem>>) target(%dma_start3A_21 : memref<10240xf32, #tpu.memory_space<hbm>>) target_semaphore(%run_scoped3A : memref<!tpu.dma_semaphore, #tpu.memory_space<semaphore_mem>>)
      %dma_wait3A = arith.constant 0 : i32
      %dma_wait3A_22 = tpu.memref_slice %arg3[%add3A, %dma_wait3A] : memref<32x10240xf32, #tpu.memory_space<hbm>> -> memref<1x10240xf32, #tpu.memory_space<hbm>>
      %dma_wait3A_23 = tpu.memref_squeeze %dma_wait3A_22 : memref<1x10240xf32, #tpu.memory_space<hbm>> -> memref<10240xf32, #tpu.memory_space<hbm>>
      %dma_wait3A_24 = arith.constant 0 : i32
      %dma_wait3A_25 = tpu.memref_slice %arg3[%add3A, %dma_wait3A_24] : memref<32x10240xf32, #tpu.memory_space<hbm>> -> memref<1x10240xf32, #tpu.memory_space<hbm>>
      %dma_wait3A_26 = tpu.memref_squeeze %dma_wait3A_25 : memref<1x10240xf32, #tpu.memory_space<hbm>> -> memref<10240xf32, #tpu.memory_space<hbm>>
      tpu.wait_dma2 semaphore(%run_scoped3A : memref<!tpu.dma_semaphore, #tpu.memory_space<semaphore_mem>>) src(%arg5 : memref<10240xf32, #tpu.memory_space<vmem>>) dst(%dma_wait3A_26 : memref<10240xf32, #tpu.memory_space<hbm>>)
      tpu.yield
    }) : () -> ()
    return
  }
}

module attributes {stable_mosaic.version = 14 : i64} {
  func.func @_proj_tc_body(%arg0: i32, %arg1: memref<2048x128xf32, #tpu.memory_space<vmem>>, %arg2: memref<128x128xf32, #tpu.memory_space<vmem>>, %arg3: memref<1x128xf32, #tpu.memory_space<vmem>>, %arg4: memref<128x128xf32, #tpu.memory_space<vmem>>, %arg5: memref<1x128xf32, #tpu.memory_space<vmem>>, %arg6: memref<32x2048xf32, #tpu.memory_space<vmem>>, %arg7: memref<2048x128xf32, #tpu.memory_space<vmem>>) attributes {dimension_semantics = [#tpu.dimension_semantics<arbitrary>], iteration_bounds = array<i64: 5>, scalar_prefetch = 0 : i64, scratch_operands = 0 : i64, tpu.core_type = #tpu.core_type<tc>, window_params = [{transform_indices = @transform_0, window_bounds = array<i64: 2048, 128>}, {pipeline_mode = #tpu.pipeline_mode<synchronous>, transform_indices = @transform_1, window_bounds = array<i64: 128, 128>}, {pipeline_mode = #tpu.pipeline_mode<synchronous>, transform_indices = @transform_2, window_bounds = array<i64: 1, 128>}, {pipeline_mode = #tpu.pipeline_mode<synchronous>, transform_indices = @transform_3, window_bounds = array<i64: 128, 128>}, {pipeline_mode = #tpu.pipeline_mode<synchronous>, transform_indices = @transform_4, window_bounds = array<i64: 1, 128>}, {transform_indices = @transform_5, window_bounds = array<i64: 32, 2048>}, {transform_indices = @transform_6, window_bounds = array<i64: 2048, 128>}]} {
    %get3A = arith.constant 0 : index
    %get3A_0 = arith.constant 0 : index
    %get3A_1 = vector.load %arg6[%get3A, %get3A_0] : memref<32x2048xf32, #tpu.memory_space<vmem>>, vector<32x2048xf32>
    %broadcast_in_dim3A = arith.constant 1.000000e+00 : f32
    %broadcast_in_dim3A_2 = vector.broadcast %broadcast_in_dim3A : f32 to vector<32x128xf32>
    %dot_general3A = arith.constant dense<0.000000e+00> : vector<2048x128xf32>
    %dot_general3A_3 = tpu.matmul %get3A_1, %broadcast_in_dim3A_2, %dot_general3A {dimension_numbers = #tpu.dot_dimension_numbers<[0], [0], [1], [1], [0, 1, 1, 1], [], []>, transpose_lhs_hint = false} : vector<32x2048xf32>, vector<32x128xf32>, vector<2048x128xf32> -> vector<2048x128xf32>
    %gt3A = arith.constant 5.000000e-01 : f32
    %gt3A_4 = vector.broadcast %gt3A : f32 to vector<2048x128xf32>
    %gt3A_5 = arith.cmpf ogt, %dot_general3A_3, %gt3A_4 : vector<2048x128xf32>
    %jit3A = arith.constant 1.000000e+00 : f32
    %jit3A_6 = arith.constant 0.000000e+00 : f32
    %broadcast_in_dim3A_7 = vector.broadcast %jit3A : f32 to vector<2048x128xf32>
    %broadcast_in_dim3A_8 = vector.broadcast %jit3A_6 : f32 to vector<2048x128xf32>
    %select_n3A = arith.select %gt3A_5, %broadcast_in_dim3A_7, %broadcast_in_dim3A_8 : vector<2048x128xi1>, vector<2048x128xf32>
    %get3A_9 = arith.constant 0 : index
    %get3A_10 = arith.constant 0 : index
    %get3A_11 = vector.load %arg1[%get3A_9, %get3A_10] : memref<2048x128xf32, #tpu.memory_space<vmem>>, vector<2048x128xf32>
    %get3A_12 = arith.constant 0 : index
    %get3A_13 = arith.constant 0 : index
    %get3A_14 = vector.load %arg2[%get3A_12, %get3A_13] : memref<128x128xf32, #tpu.memory_space<vmem>>, vector<128x128xf32>
    %dot_general3A_15 = arith.constant dense<0.000000e+00> : vector<2048x128xf32>
    %dot_general3A_16 = tpu.matmul %get3A_11, %get3A_14, %dot_general3A_15 {dimension_numbers = #tpu.dot_dimension_numbers<[1], [1], [0], [0], [0, 0, 1, 0], [], []>, transpose_lhs_hint = false} : vector<2048x128xf32>, vector<128x128xf32>, vector<2048x128xf32> -> vector<2048x128xf32>
    %get3A_17 = arith.constant 0 : index
    %get3A_18 = arith.constant 0 : index
    %get3A_19 = vector.load %arg3[%get3A_17, %get3A_18] : memref<1x128xf32, #tpu.memory_space<vmem>>, vector<1x128xf32>
    %add3A = vector.broadcast %get3A_19 : vector<1x128xf32> to vector<2048x128xf32>
    %add3A_20 = arith.addf %dot_general3A_16, %add3A : vector<2048x128xf32>
    %mul3A = arith.mulf %add3A_20, %select_n3A : vector<2048x128xf32>
    %get3A_21 = arith.constant 0 : index
    %get3A_22 = arith.constant 0 : index
    %get3A_23 = vector.load %arg4[%get3A_21, %get3A_22] : memref<128x128xf32, #tpu.memory_space<vmem>>, vector<128x128xf32>
    %dot_general3A_24 = arith.constant dense<0.000000e+00> : vector<2048x128xf32>
    %dot_general3A_25 = tpu.matmul %mul3A, %get3A_23, %dot_general3A_24 {dimension_numbers = #tpu.dot_dimension_numbers<[1], [1], [0], [0], [0, 0, 1, 0], [], []>, transpose_lhs_hint = false} : vector<2048x128xf32>, vector<128x128xf32>, vector<2048x128xf32> -> vector<2048x128xf32>
    %get3A_26 = arith.constant 0 : index
    %get3A_27 = arith.constant 0 : index
    %get3A_28 = vector.load %arg5[%get3A_26, %get3A_27] : memref<1x128xf32, #tpu.memory_space<vmem>>, vector<1x128xf32>
    %add3A_29 = vector.broadcast %get3A_28 : vector<1x128xf32> to vector<2048x128xf32>
    %add3A_30 = arith.addf %dot_general3A_25, %add3A_29 : vector<2048x128xf32>
    %swap3A = arith.constant 0 : index
    %swap3A_31 = arith.constant 0 : index
    %swap3A_32 = vector.load %arg7[%swap3A, %swap3A_31] : memref<2048x128xf32, #tpu.memory_space<vmem>>, vector<2048x128xf32>
    tpu.vector_store %arg7[%swap3A, %swap3A_31], %add3A_30 {strides = array<i32>} : memref<2048x128xf32, #tpu.memory_space<vmem>>, vector<2048x128xf32>,
    return
  }
  func.func @transform_0(%arg0: i32) -> (i32, i32) {
    %c0_i32 = arith.constant 0 : i32
    %c0_i32_0 = arith.constant 0 : i32
    return %arg0, %c0_i32 : i32, i32
  }
  func.func @transform_1(%arg0: i32) -> (i32, i32) {
    %c0_i32 = arith.constant 0 : i32
    %c0_i32_0 = arith.constant 0 : i32
    %c0_i32_1 = arith.constant 0 : i32
    return %c0_i32, %c0_i32_0 : i32, i32
  }
  func.func @transform_2(%arg0: i32) -> (i32, i32) {
    %c0_i32 = arith.constant 0 : i32
    %c0_i32_0 = arith.constant 0 : i32
    %c0_i32_1 = arith.constant 0 : i32
    return %c0_i32, %c0_i32_0 : i32, i32
  }
  func.func @transform_3(%arg0: i32) -> (i32, i32) {
    %c0_i32 = arith.constant 0 : i32
    %c0_i32_0 = arith.constant 0 : i32
    %c0_i32_1 = arith.constant 0 : i32
    return %c0_i32, %c0_i32_0 : i32, i32
  }
  func.func @transform_4(%arg0: i32) -> (i32, i32) {
    %c0_i32 = arith.constant 0 : i32
    %c0_i32_0 = arith.constant 0 : i32
    %c0_i32_1 = arith.constant 0 : i32
    return %c0_i32, %c0_i32_0 : i32, i32
  }
  func.func @transform_5(%arg0: i32) -> (i32, i32) {
    %c0_i32 = arith.constant 0 : i32
    %c0_i32_0 = arith.constant 0 : i32
    return %c0_i32, %arg0 : i32, i32
  }
  func.func @transform_6(%arg0: i32) -> (i32, i32) {
    %c0_i32 = arith.constant 0 : i32
    %c0_i32_0 = arith.constant 0 : i32
    return %arg0, %c0_i32 : i32, i32
  }
}

</mosaic_0001>

<sc_bundles>
// kernel: kernel.4.cloned.1.call-start
scs
__scs_entry_jumppad:
0x0: {  	(pc) =	sbr.rel $0x88, $3  }
0x1: {  	(tag) =	ssettag $0x0;
	lr =	simm.s32 $0x1  }
0x2: {  	[smem:$0x3F9B] =	sst lr;
	_ =	strace $0xD0000000  }
0x3: {  	_ = 	snop  }
0x4: {  	_ = 	snop  }
0x5: {  	_ = 	snop  }
0x6: {  	_ = 	snop  }
0x7: {  	_ = 	snop  }
__scs_overlays_trampoline_lowered:
0x8: {  	[smem:$0x3FAA] =	sst s0  }
0x9: {  	[smem:$0x3FAB] =	sst s1  }
0xa: {  	[smem:$0x3FAC] =	sst s2  }
0xb: {  	[smem:$0x3FAD] =	sst s3  }
0xc: {  	[smem:$0x3FAE] =	sst s4  }
0xd: {  	[smem:$0x3FAF] =	sst s5  }
0xe: {  	[smem:$0x3FB0] =	sst s6  }
0xf: {  	[smem:$0x3FB1] =	sst s7  }
0x10: {  	[smem:$0x3FB2] =	sst s8  }
0x11: {  	[smem:$0x3FB3] =	sst s9;
	s0 =	simm.s32 @!p0 $0x0  }
0x12: {  	s1 =	sld [smem:$0x3F99];
	s0 =	simm.s32 @p0 $0x1  }
0x13: {  	[smem:$0x3FB4] =	sst s0;
	s0 =	simm.s32 @!p1 $0x0  }
0x14: {  	s2 =	sld [smem:$0x3F98];
	s0 =	simm.s32 @p1 $0x1  }
0x15: {  	[smem:$0x3FB5] =	sst s0;
	s0 =	simm.s32 @!p2 $0x0  }
0x16: {  	s3 =	sld [smem:$0x3FDB];
	s0 =	simm.s32 @p2 $0x1  }
0x17: {  	s4 =	simm.s32 $0x1BF5;
	[smem:$0x3FB7] =	sst s0  }
0x18: {  	s0 =	sld [smem:$0x3F9A];
	_ =	swait.ge [sflag:s4], $0x0  }
0x19: {  	s7 =	sld [smem:$0x3F9B]  }
0x1a: {  	s8 =	sadd.s32 $0xFFFFE003, lr  }
0x1b: {  	s9 =	sadd.s32 $0xFFFFFEF7, lr;
	s5 =	simm.s32 $0xFFFFFFFF;
	p2 =	slt.u32 s8, $0xFFFFF086  }
0x1c: {  	p1 =	slt.u32 s9, $0xF7A;
	s5 =	simm.s32 @!p2 $0x0  }
0x1d: {  	s5 =	simm.s32 @p1 $0x1;
	p0 =	seq.s32 s7, s2  }
0x1e: {  	s7 =	smul.u32 @!p0 $0xF7A, s2;
	p2 =	seq.s32 @!p0 s5, $0x0  }
0x1f: {  	s9 =	smul.u32 $0xF7A, s1;
	s8 =	simm.s32 @!p0 $0x1BF5;
	p2 =	por !p2, p0  }
0x20: {  	[sflag:s8] =	ssyncset.s32 @!p0 $0xFFFFF086;
	s6 =	sadd.s32 @!p0 s3, s7;
	s7 =	simm.s32 @!p0 $0x108  }
0x21: {  	s3 =	sadd.s32 s3, s9;
	s6 =	sadd.s32 @!p0 $0x88, s6;
	s7 =	simm.s32 @p2 $0x1082  }
0x22: {  	[simem:s7], [sflag:s8] =	dma.local @!p0 [hbm:s6], $0xF7A  }
0x23: {  	s9 =	sor.u32 $0xD0000000, s2;
	s6 =	simm.s32 $0x108;
	_ =	swait.ge @!p0 [sflag:s8], $0x0  }
0x24: {  	s3 =	sadd.s32 $0x88, s3;
	s6 =	simm.s32 @!p1 $0x1082;
	[sflag:s4] =	ssyncset.s32 $0xFFFFF086  }
0x25: {  	[simem:s6], [sflag:s4] =	dma.local [hbm:s3], $0xF7A  }
0x26: {  	[smem:$0x3F9B] =	sst s1;
	(tag) =	ssettag s2;
	_ =	strace s9  }
0x27: {  	s1 =	sld [smem:$0x3FAB]  }
0x28: {  	s2 =	sld [smem:$0x3FAC]  }
0x29: {  	s4 =	sld [smem:$0x3FAE]  }
0x2a: {  	p0 =	seq.s32 s5, $0x0;
	s5 =	sld [smem:$0x3FAF]  }
0x2b: {  	s6 =	sld [smem:$0x3FB0]  }
0x2c: {  	s7 =	sld [smem:$0x3FB1]  }
0x2d: {  	s3 =	simm.s32 $0x108;
	s8 =	sld [smem:$0x3FB2]  }
0x2e: {  	s3 =	simm.s32 @!p0 $0x1082;
	s9 =	sld [smem:$0x3FB3]  }
0x2f: {  	lr =	sadd.s32 s0, s3;
	s0 =	sld [smem:$0x3FAA]  }
0x30: {  	s3 =	sld [smem:$0x3FAD]  }
0x31: {  	[smem:$0x3FB6] =	sst s10  }
0x32: {  	s10 =	sld [smem:$0x3FB4];
	_ =	sdelay $0x3  }
0x33: {  	p0 =	seq.s32 s10, $0x1;
	s10 =	sld [smem:$0x3FB6];
	_ =	sdelay $0x3  }
0x34: {  	[smem:$0x3FB6] =	sst s10  }
0x35: {  	s10 =	sld [smem:$0x3FB5];
	_ =	sdelay $0x3  }
0x36: {  	p1 =	seq.s32 s10, $0x1;
	s10 =	sld [smem:$0x3FB6];
	_ =	sdelay $0x3  }
0x37: {  	[smem:$0x3FB6] =	sst s10  }
0x38: {  	s10 =	sld [smem:$0x3FB7]  }
0x39: {  	_ = 	snop;
	(pc) =	sbr.ind lr, $3  }
0x3a: {  	_ = 	snop  }
0x3b: {  	_ = 	snop  }
0x3c: {  	p2 =	seq.s32 s10, $0x1;
	s10 =	sld [smem:$0x3FB6]  }
0x3d: {  	_ =	shalt  }
0x3e: {  	_ =	shalt  }
0x3f: {  	_ =	shalt  }
0x40: {  	_ =	shalt  }
0x41: {  	_ =	shalt  }
0x42: {  	_ =	shalt  }
0x43: {  	_ =	shalt  }
0x44: {  	_ =	shalt  }
0x45: {  	_ =	shalt  }
0x46: {  	_ =	shalt  }
0x47: {  	_ =	shalt  }
0x48: {  	_ =	shalt  }
0x49: {  	_ =	shalt  }
0x4a: {  	_ =	shalt  }
0x4b: {  	_ =	shalt  }
0x4c: {  	_ =	shalt  }
0x4d: {  	_ =	shalt  }
0x4e: {  	_ =	shalt  }
0x4f: {  	_ =	shalt  }
0x50: {  	_ =	shalt  }
0x51: {  	_ =	shalt  }
0x52: {  	_ =	shalt  }
0x53: {  	_ =	shalt  }
0x54: {  	_ =	shalt  }
0x55: {  	_ =	shalt  }
0x56: {  	_ =	shalt  }
0x57: {  	_ =	shalt  }
0x58: {  	_ =	shalt  }
0x59: {  	_ =	shalt  }
0x5a: {  	_ =	shalt  }
0x5b: {  	_ =	shalt  }
0x5c: {  	_ =	shalt  }
0x5d: {  	_ =	shalt  }
0x5e: {  	_ =	shalt  }
0x5f: {  	_ =	shalt  }
0x60: {  	_ =	shalt  }
0x61: {  	_ =	shalt  }
0x62: {  	_ =	shalt  }
0x63: {  	_ =	shalt  }
0x64: {  	_ =	shalt  }
0x65: {  	_ =	shalt  }
0x66: {  	_ =	shalt  }
0x67: {  	_ =	shalt  }
0x68: {  	_ =	shalt  }
0x69: {  	_ =	shalt  }
0x6a: {  	_ =	shalt  }
0x6b: {  	_ =	shalt  }
0x6c: {  	_ =	shalt  }
0x6d: {  	_ =	shalt  }
0x6e: {  	_ =	shalt  }
0x6f: {  	_ =	shalt  }
0x70: {  	_ =	shalt  }
0x71: {  	_ =	shalt  }
0x72: {  	_ =	shalt  }
0x73: {  	_ =	shalt  }
0x74: {  	_ =	shalt  }
0x75: {  	_ =	shalt  }
0x76: {  	_ =	shalt  }
0x77: {  	_ =	shalt  }
0x78: {  	_ =	shalt  }
0x79: {  	_ =	shalt  }
0x7a: {  	_ =	shalt  }
0x7b: {  	_ =	shalt  }
0x7c: {  	_ =	shalt  }
0x7d: {  	_ =	shalt  }
0x7e: {  	_ =	shalt  }
0x7f: {  	_ =	shalt  }
0x80: {  	_ =	shalt  }
0x81: {  	_ =	shalt  }
0x82: {  	_ =	shalt  }
0x83: {  	_ =	shalt  }
0x84: {  	_ =	shalt  }
0x85: {  	_ =	shalt  }
0x86: {  	_ =	shalt  }
0x87: {  	_ =	shalt  }
.Lfunc_end0:
.L_simem_size_0:
called_computation_lowered:
.L_overlay_start_0:
0x88: {  	s2 =	sld [smem:$0x3FD9]  }
0x89: {  	s3 =	sld [smem:$0x3FFE];
	_ =	sdelay $0x1  }
0x8a: {  	s1 =	srdreg.scid  }
0x8b: {  	s0 =	sand.u32 $0x1, s1  }
0x8c: {  	s18 =	sshll.u32 s0, $0xA;
	s2 =	sadd.s32 s3, s2  }
0x8d: {  	s2 =	sadd.s32 s2, s18  }
0x8e: {  	[smem:$0x3FC2] =	sst s2  }
0x8f: {  	_ = 	snop  }
0x90: {  	s2 =	sld [smem:$0x3FC8]  }
0x91: {  	s19 =	sld [smem:$0x3FD0];
	(tm) =	ssettm $0x1  }
0x92: {  	s4 =	sld [smem:$0x3FFB];
	_ =	sdelay $0x3  }
0x93: {  	_ =	strace s4  }
0x94: {  	s4 =	sld [smem:$0x3FFC];
	_ =	sdelay $0x3  }
0x95: {  	_ =	strace s4  }
0x96: {  	s4 =	sld [smem:$0x3FFD];
	_ =	sdelay $0x3  }
0x97: {  	_ =	strace s4  }
0x98: {  	_ =	strace $0x8FFFFFFF  }
0x99: {  	s20 =	sld [smem:$0x3FDB];
	_ =	sdelay $0x1  }
0x9a: {  	s5 =	simm.s32 $_scs_section_size  }
0x9b: {  	s6 =	simm.s32 $_size__tile_overlayer_lowered;
	s7 =	simm.s32 $_tile_overlayer_lowered  }
0x9c: {  	s23 =	simm.s32 $0x1BFF;
	s22 =	sshll.u32 s7, $0x1;
	s4 =	sadd.s32 s5, s20  }
0x9d: {  	s8 =	simm.s32 $0x0;
	s21 =	sshll.u32 s6, $0x1;
	s6 =	sadd.s32 s22, s4  }
0x9e: {  	[timem:s8], [sflag:s23] =	dma.local [hbm:s6], s21  }
0x9f: {  	_ =	swait.ge [sflag:s23], s21  }
0xa0: {  	s5 =	ssub.s32 $0x0, s21;
	[sflag:s23] =	ssyncset.done $0x0  }
0xa1: {  	[sflag:s23] =	ssyncadd.s32 s5;
	_ =	sdelay $0x1  }
0xa2: {  	s24 =	simm.s32 $0x1B8B  }
0xa3: {  	_ =	swait.ge [sflag:s24], $0x1  }
0xa4: {  	[sflag:s24] =	ssyncset.done $0x0  }
0xa5: {  	s25 =	simm.s32 $0x1B8E;
	[sflag:s24] =	ssyncadd.s32 $0xFFFFFFFF  }
0xa6: {  	s26 =	simm.s32 $execute0_lowered;
	[smem:$0x3FD2] =	sst s25  }
0xa7: {  	s5 =	sshll.u32 s26, $0x1;
	_ =	strace $0x80000046;
	[dreg:$0x1] =	wrdreg $0xFFFFFFFF  }
0xa8: {  	s28 =	simm.s32 $_size_execute0_lowered;
	s4 =	sadd.s32 s4, s5;
	[dreg:$0x0] =	wrdreg $0x0  }
0xa9: {  	s5 =	sshll.u32 s28, $0x1;
	[dreg:$0x2] =	wrdreg s4  }
0xaa: {  	[dreg:$0x3] =	wrdreg s5  }
0xab: {  	[dreg:$0x4] =	wrdreg $0xC0  }
0xac: {  	_ =	task [dreg:s8], $0x5FFFF  }
0xad: {  	[dreg:$0x1] =	wrdreg $0xFFFFFFFF  }
0xae: {  	[dreg:$0x0] =	wrdreg $0x60  }
0xaf: {  	[dreg:$0x2] =	wrdreg s2  }
0xb0: {  	[dreg:$0x3] =	wrdreg s19  }
0xb1: {  	[dreg:$0x4] =	wrdreg $0x9  }
0xb2: {  	_ =	task.clear_ibuf [dreg:s8], $0x5FFFF;
	_ =	strace $0x90000046  }
0xb3: {  	s29 =	simm.s32 $0x9;
	_ =	strace $0x80000048  }
0xb4: {  	_ =	swait.ge [sflag:s29], $0x1  }
0xb5: {  	[sflag:s29] =	ssyncadd.s32 $0xFFFFFFFF  }
0xb6: {  	_ =	strace $0x90000048  }
0xb7: {  	_ =	sfence  }
0xb8: {  	s30 =	sld [smem:$0x0];
	_ =	sdelay $0x2  }
0xb9: {  	s31 =	sshll.u32 s1, $0xD;
	s1 =	sshrl.u32 s1, $0x2  }
0xba: {  	s3 =	sand.u32 $0x4000, s31;
	s1 =	sadd.s32 s1, s30  }
0xbb: {  	s0 =	sor.u32 s3, s0;
	s1 =	sshll.u32 s1, $0x11  }
0xbc: {  	s0 =	sor.u32 s1, s0  }
0xbd: {  	s0 =	sadd.s32 $0x8F2B, s0  }
0xbe: {  	[sflag:s0] =	ssyncadd.remote.s32 $0x1  }
0xbf: {  	_ =	sfence.sel $0xFFFF  }
0xc0: {  	[dreg:$0x0] =	wrdreg $0xFFFFFFFF;
	(pc) =	sbr.abs _section_cstart, $3  }
0xc1: {  	[dreg:$0x1] =	wrdreg $0xFFFFFFFF  }
0xc2: {  	_ =	task.clear_ibuf [dreg:s8], $0x2FFFF;
	_ =	strace $0x9FFFFFFF  }
0xc3: {  	(tm) =	ssettm $0x7FFFFFFF  }
tec
execute0_lowered:
.L_overlay_start_1:
0x0: {  	(tag) =	ssettag $0x1  }
0x1: {  	s3 =	rddreg [dreg:$0x0];
	s1 =	srdreg.scid  }
0x2: {  	s0 =	stileid.u32;
	s4 =	rddreg [dreg:$0x1];
	s9 =	simm.s32 $0x400  }
0x3: {  	s10 =	simm.s32 $0x0;
	s5 =	sand.u32 $0x1, s1;
	s2 =	sshll.u32 s0, $0x1  }
0x4: {  	s1 =	rddreg [dreg:$0x2];
	s7 =	sshrl.u32 s0, $0x2;
	s6 =	sor.u32 s5, s2  }
0x5: {  	s2 =	simm.s32 $0x0;
	s7 =	smul.u32 $0x14000, s7;
	s5 =	ssub.s32 $0x2, s5  }
0x6: {  	s8 =	sshll.u32 s6, $0x7;
	[smem:$0x7FF] =	sst s2;
	s6 =	smul.u32 $0x4E2, s6  }
0x7: {  	s31 =	sshrl.u32 s5, $0x1;
	s8 =	sand.u32 $0x380, s8;
	_ =	strace $0x80000047  }
0x8: {  	s5 =	ssub.s32 s5, s31;
	s7 =	sor.u32 s7, s8;
	s3 =	sadd.s32 s3, s6  }
0x9: {  	s5 =	smax.u32 s5, $0x1;
	s6 =	simm.s32 $0x1;
	s7 =	sshrl.u32 s7, $0x3  }
0xa: {  	v0 =	vimm.f32 $0.0e+00;
	v1 =	vimm.f32 $1.000000000e+00;
	s8 =	simm.s32 $0x80;
	s4 =	sadd.s32 s4, s7;
	s7 =	simm.s32 $0x2780  }
.LBB2_1:
0xb: {  	[tilespmem:s2], [sflag:$0x1] =	stream.linear.gather [hbm4b:s3+s2], $0x2710, $0x38;
	[tilespmem:$0x4F80] =	vst v63  }
0xc: {  	_ =	swait.ge [sflag:s6], $0x2710  }
0xd: {  	[sflag:s6] =	ssyncset.done $0x0  }
0xe: {  	s11 =	simm.s32 $0x0;
	[sflag:s6] =	ssyncadd.s32 $0xFFFFD8F0  }
.LBB2_2:
0xf: {  	p0 =	sne.s32 s11, $0x9FC0  }
.Ltmp0:
0x10: {  	_ = 	snop;
	(pc) =	sbr.rel @p0 .LBB2_2-.Ltmp0, $3  }
0x11: {  	_ =	sdelay $0x1  }
0x12: {  	s12 =	sshra.s32 s11, $0x2  }
0x13: {  	s11 =	sadd.s32 $0x40, s11;
	[tilespmem:s12+$0x2780] =	vst v0  }
0x14: {  	s12 =	simm.s32 $0x0;
	s11 =	simm.s32 $0x40  }
.LBB2_4:
0x15: {  	p0 =	sne.s32 s11, $0x9C00;
	v2 =	vld [tilespmem:s12+$0x0];
	_ =	sdelay $0x3  }
.Ltmp1:
0x16: {  	(pc) =	sbr.rel @p0 .LBB2_4-.Ltmp1, $2  }
0x17: {  	_ =	sdelay $0x2  }
0x18: {  	s12 =	sshra.s32 s11, $0x2;
	s11 =	sadd.s32 $0x40, s11;
	[tilespmem:v2+s7+$0x0] =	vst.idx.add.f32.msk $0xffff, v1  }
0x19: {  	v2 =	vld [tilespmem:s12+$0x0];
	_ =	sdelay $0x5  }
0x1a: {  	s10 =	sadd.s32 $0x1, s10  }
0x1b: {  	p0 =	sne.s32 s10, s5  }
.Ltmp2:
0x1c: {  	[tilespmem:v2+s7+$0x0] =	vst.idx.add.f32.msk $0xffff, v1;
	(pc) =	sbr.rel @p0 .LBB2_1-.Ltmp2, $4  }
0x1d: {  	[hbm4b:s4+s8] =	stream.strided.scatter [tilespmem:s7], [sflag:$0x1], $0x2800, s9, s8, $0x38;
	[tilespmem:$0x4F80] =	vst v63  }
0x1e: {  	_ =	swait.ge [sflag:s6], $0x2800  }
0x1f: {  	[sflag:s6] =	ssyncset.done $0x0  }
0x20: {  	[sflag:s6] =	ssyncadd.s32 $0xFFFFD800  }
0x21: {  	_ =	sfence.sel $0x180000  }
0x22: {  	[bflag:$0x0] =	sbarrier.arrive $0xFFFF  }
0x23: {  	p0 =	sne.s32 s0, $0x0;
	_ =	strace $0x90000047  }
0x24: {  	s0 =	sadd.s32 @!p0 $0x100000, s1;
	[bflag:$0x2] =	sbarrier.arrive $0xFFFF  }
0x25: {  	[sflag:s0] =	ssyncadd.tile.s32 @!p0 $0x1;
	_ =	shalt  }
.Lfunc_end2:
_tile_overlayer_lowered:
.L_overlay_start_2:
0x26: {  	(tag) =	ssettag $0x2  }
0x27: {  	s0 =	rddreg [dreg:$0x0];
	s2 =	stileid.u32  }
0x28: {  	s1 =	rddreg [dreg:$0x1];
	p0 =	sne.s32 s2, $0x0  }
0x29: {  	s3 =	rddreg [dreg:$0x2];
	[bflag:$0x3] =	sbarrier.arrive $0xFFFF;
	s2 =	simm.s32 @!p0 $0x1C01  }
0x2a: {  	[timem:s3], [sflag:s2] =	dma.local @!p0 [hbm:s0], s1  }
0x2b: {  	s0 =	simm.s32 @!p0 $0x1  }
0x2c: {  	_ =	swait.ge @!p0 [sflag:s0], s1  }
0x2d: {  	s1 =	ssub.s32 @!p0 $0x0, s1;
	[sflag:s0] =	ssyncset.done @!p0 $0x0  }
0x2e: {  	[sflag:s0] =	ssyncadd.s32 @!p0 s1  }
0x2f: {  	[bflag:$0x3] =	sbarrier.arrive $0xFFFF  }
0x30: {  	_ =	shalt  }

</sc_bundles>
